<compile_context>
chip_gen: v7x
topology: tpu7x:2x2x1
jax: 0.10.2.dev20260603
libtpu: 0.0.44.dev20260713+nightly
codegen_flags: <defaults>
</compile_context>

<pallas_src>
import functools
import math

import jax
import jax.numpy as jnp
from jax import lax
from jax.experimental import pallas as pl
from jax.experimental.pallas import tpu as pltpu
from jax.experimental.pallas import tpu_sc as plsc

N = 524288
D = 64
M = 32
PK = 128
EH = 16
RD = 32
RESCALE = 0.1
SCALE = 1.0 / math.sqrt(D)

TA = 65536
TBL = 8192


def _passa_body(gsT_ref, acT_ref, acc_ref, m_ref):
    i = pl.program_id(0)

    @pl.when(i == 0)
    def _init():
        acc_ref[...] = jnp.zeros_like(acc_ref)
        m_ref[...] = jnp.full_like(m_ref, -1e30)

    gsT = gsT_ref[...]
    ones = jnp.ones((1, gsT.shape[1]), jnp.float32)
    cat3 = jnp.concatenate([gsT, ones], axis=0)
    acT = acT_ref[...]
    scoresT = jnp.dot(acT, cat3,
                      preferred_element_type=jnp.float32)
    bm = jnp.max(scoresT, axis=1, keepdims=True)
    m_old = m_ref[...]
    m_new = jnp.maximum(m_old, bm)
    factor = jnp.exp(m_old - m_new)
    e = jnp.exp(scoresT - m_new)
    contrib = lax.dot_general(e, cat3, (((1,), (1,)), ((), ())),
                              preferred_element_type=jnp.float32)
    acc_ref[...] = acc_ref[...] * factor + contrib
    m_ref[...] = m_new


def _run_pass_a(gsT, acT):
    grid = (N // TA,)
    return pl.pallas_call(
        _passa_body,
        grid=grid,
        in_specs=[
            pl.BlockSpec((2, TA), lambda i: (0, i)),
            pl.BlockSpec((32, 3), lambda i: (0, 0)),
        ],
        out_specs=[pl.BlockSpec((32, 3), lambda i: (0, 0)),
                   pl.BlockSpec((32, 1), lambda i: (0, 0))],
        out_shape=[jax.ShapeDtypeStruct((32, 3), jnp.float32),
                   jax.ShapeDtypeStruct((32, 1), jnp.float32)],
    )(gsT, acT)


def _prep_body(w1_ref, w2_ref, seg_ref, d_ref, a_ref):
    w1 = w1_ref[...]
    w2 = w2_ref[...]
    seg = seg_ref[...]
    prod = w1 * w2
    aprod = jnp.abs(w1) * w2
    d_ref[...] = 1.0 + (0.5 * RESCALE) * jnp.dot(
        prod, seg, preferred_element_type=jnp.float32)
    a_ref[...] = (0.5 * RESCALE) * jnp.dot(
        aprod, seg, preferred_element_type=jnp.float32)


def _run_prep(w1r, w2r, seg):
    rows = PK * PK // 8
    out = pl.pallas_call(
        _prep_body,
        out_shape=[jax.ShapeDtypeStruct((rows, 8), jnp.float32),
                   jax.ShapeDtypeStruct((rows, 8), jnp.float32)],
    )(w1r, w2r, seg)
    return out


def _passb_body(gsT_ref, hT_ref, whs_ref, qq_ref,
                kabT_ref, iw_ref, hnewT_ref, idxT_ref):
    gsT = gsT_ref[...]
    hT = hT_ref[...]
    whs = whs_ref[...]
    qq = qq_ref[...]
    kabT = kabT_ref[...]
    iw = iw_ref[...]

    ones = jnp.ones((1, gsT.shape[1]), jnp.float32)
    hgs = jnp.concatenate([hT, gsT, ones], axis=0)
    hr = jnp.dot(whs, hgs, preferred_element_type=jnp.float32)
    h_newT = jnp.tanh(hr[0:32, :])
    hnewT_ref[...] = h_newT

    rsT = hr[32:64, :]
    rm = jnp.max(rsT, axis=0, keepdims=True)
    reT = jnp.exp(rsT - rm)
    raT = reT * (1.0 / jnp.sum(reT, axis=0, keepdims=True))

    cat = jnp.concatenate([h_newT, raT, gsT], axis=0)
    queryT = jnp.dot(qq, cat,
                     preferred_element_type=jnp.float32)

    scT = jnp.dot(kabT, queryT,
                  preferred_element_type=jnp.float32)
    saT = scT[0:128, :]
    sbT = scT[128:256, :]
    ma = jnp.max(saT, axis=0, keepdims=True)
    mb = jnp.max(sbT, axis=0, keepdims=True)
    eqaT = (saT == ma).astype(jnp.float32)
    eqbT = (sbT == mb).astype(jnp.float32)
    idxf = (jnp.dot(iw[:, 0:128], eqaT, preferred_element_type=jnp.float32)
            + jnp.dot(iw[:, 128:256], eqbT,
                      preferred_element_type=jnp.float32))
    idxT_ref[...] = jnp.minimum(idxf[0:1, :],
                                float(PK * PK - 1)).astype(jnp.int32)


def _run_pass_b(gsT, hT, whs, qq, kabT, iw):
    grid = (N // TBL,)
    return pl.pallas_call(
        _passb_body,
        grid=grid,
        in_specs=[
            pl.BlockSpec((2, TBL), lambda i: (0, i)),
            pl.BlockSpec((RD, TBL), lambda i: (0, i)),
            pl.BlockSpec((64, 35), lambda i: (0, 0)),
            pl.BlockSpec((64, 66), lambda i: (0, 0)),
            pl.BlockSpec((256, 64), lambda i: (0, 0)),
            pl.BlockSpec((8, 256), lambda i: (0, 0)),
        ],
        out_specs=[
            pl.BlockSpec((RD, TBL), lambda i: (0, i)),
            pl.BlockSpec((1, TBL), lambda i: (0, i)),
        ],
        out_shape=[jax.ShapeDtypeStruct((RD, N), jnp.float32),
                   jax.ShapeDtypeStruct((1, N), jnp.int32)],
    )(gsT, hT, whs, qq, kabT, iw)


def _expert_apply(dtab, atab, expert_idx, g):
    info = plsc.get_sparse_core_info()
    nc, ns, L = info.num_cores, info.num_subcores, info.num_lanes
    nw = nc * ns
    per_w = N // nw
    mesh = plsc.VectorSubcoreMesh(core_axis_name="c", subcore_axis_name="s")

    @functools.partial(
        pl.kernel, mesh=mesh,
        compiler_params=pltpu.CompilerParams(needs_layout_passes=False,
                                             use_tc_tiling_on_sc=False),
        out_type=jax.ShapeDtypeStruct((N,), jnp.float32),
        scratch_types=[
            pltpu.VMEM((PK * PK,), jnp.float32),
            pltpu.VMEM((PK * PK,), jnp.float32),
            pltpu.VMEM((per_w,), jnp.int32),
            pltpu.VMEM((per_w,), jnp.float32),
            pltpu.VMEM((per_w,), jnp.float32),
        ],
    )
    def sc_kernel(dtab_hbm, atab_hbm, idx_hbm, g_hbm, out_hbm,
                  dtab_v, atab_v, idx_v, g_v, o_v):
        wid = lax.axis_index("s") * nc + lax.axis_index("c")
        base = wid * per_w
        pltpu.sync_copy(dtab_hbm, dtab_v)
        pltpu.sync_copy(atab_hbm, atab_v)
        pltpu.sync_copy(idx_hbm.at[pl.ds(base, per_w)], idx_v)
        pltpu.sync_copy(g_hbm.at[pl.ds(base, per_w)], g_v)

        @plsc.parallel_loop(0, per_w // L, unroll=8)
        def _body(i):
            sl = pl.ds(i * L, L)
            iv = idx_v[sl]
            gv = g_v[sl]
            dv = plsc.load_gather(dtab_v, [iv])
            av = plsc.load_gather(atab_v, [iv])
            o_v[sl] = gv * dv + jnp.abs(gv) * av
        pltpu.sync_copy(o_v, out_hbm.at[pl.ds(base, per_w)])

    return sc_kernel(dtab, atab, expert_idx, g)


def kernel(grad, sharpness, recurrent_state, inducing_points, input_proj_W,
           input_proj_b, induce_q_W, induce_k_W, induce_v_W, read_q_W, W_h,
           W_x_W, W_x_b, peer_query_W, product_keys_A, product_keys_B,
           expert_W1, expert_b1, expert_W2, expert_b2):
    f32 = jnp.float32
    g1 = grad.reshape(N).astype(f32)
    s1 = sharpness.reshape(N).astype(f32)
    hT = recurrent_state.astype(f32).T
    gsT = jnp.stack([g1, s1], axis=0)

    Wp = input_proj_W.T
    b0 = input_proj_b
    Gk = Wp @ induce_k_W.T
    ck = b0 @ induce_k_W.T
    Gv = Wp @ induce_v_W.T
    cv = b0 @ induce_v_W.T
    Gr = Wp @ read_q_W.T
    cr = b0 @ read_q_W.T
    iq = inducing_points @ induce_q_W.T

    a_mat = SCALE * (Gk @ iq.T)
    c_row = SCALE * (ck @ iq.T)
    acT = jnp.concatenate([a_mat.T, c_row.reshape(32, 1)], axis=1)

    acc, _ = _run_pass_a(gsT, acT)
    a2 = acc[:, 0:2] / acc[:, 2:3]
    I_up = a2 @ Gv + cv[None, :]

    srwT = SCALE * (I_up @ Gr.T)
    srcT = (SCALE * (I_up @ cr)).reshape(32, 1)
    top = jnp.concatenate(
        [W_h, W_x_W, W_x_b.reshape(RD, 1)], axis=1)
    bot = jnp.concatenate(
        [jnp.zeros((32, 32), f32), srwT, srcT], axis=1)
    whs = jnp.concatenate([top, bot], axis=0)
    qhT = peer_query_W[:, 0:32]
    qrT = peer_query_W[:, 32:96] @ I_up.T
    q3T = peer_query_W[:, 96:98]
    qq = jnp.concatenate([qhT, qrT, q3T], axis=1)
    kabT = jnp.zeros((2 * PK, 64), f32)
    kabT = kabT.at[0:PK, 0:32].set(product_keys_A)
    kabT = kabT.at[PK:2 * PK, 32:64].set(product_keys_B)
    kabT = kabT.astype(jnp.bfloat16)
    ii = jnp.arange(2 * PK, dtype=f32)
    iwrow = jnp.where(ii < PK, ii * PK, ii - PK)
    iw = jnp.zeros((8, 2 * PK), f32).at[0, :].set(iwrow)

    w1r = expert_W1.reshape(PK * PK // 8, 128)
    w2r = expert_W2.reshape(PK * PK // 8, 128)
    seg = (jnp.arange(128)[:, None] // EH ==
           jnp.arange(8)[None, :]).astype(f32)
    dr, ar = _run_prep(w1r, w2r, seg)
    dtab = dr.reshape(PK * PK)
    atab = ar.reshape(PK * PK)

    h_newT, idxT = _run_pass_b(gsT, hT, whs, qq, kabT, iw)
    h_new = h_newT.T
    expert_idx = idxT.reshape(N)

    smart_grad = _expert_apply(dtab, atab, expert_idx, g1)
    return (smart_grad.reshape(grad.shape), h_new)

# --- scband reference (transcript-rebuilt; emitter-appended) ---
"""Pipeline reference for scband-isabpeermeta-net-18356690223760 (READ-ONLY COPY).

The authoritative reference and input builder live on the scoring server;
editing this copy changes nothing except your own understanding.
"""

import math
import jax, jax.numpy as jnp
import numpy as np

N = 524288
D = 64
M = 32
PK = 128
EH = 16
RD = 32
RESCALE = 0.1


def setup_inputs(seed: int = 0) -> dict:
    key = jax.random.key(seed)
    ks = jax.random.split(key, 20)
    inp = {}
    inp["grad"] = jax.random.normal(ks[0], (N,), dtype=jnp.float32)
    inp["sharpness"] = jax.random.uniform(ks[1], (N,), dtype=jnp.float32)
    inp["recurrent_state"] = jax.random.normal(ks[2], (N, RD), dtype=jnp.float32)
    inp["inducing_points"] = jax.random.normal(ks[3], (M, D), dtype=jnp.float32) * 0.02
    inp["input_proj_W"] = jax.random.normal(ks[4], (D, 2), dtype=jnp.float32) * 0.1
    inp["input_proj_b"] = jnp.zeros((D,), dtype=jnp.float32)
    inp["induce_q_W"] = jax.random.normal(ks[5], (D, D), dtype=jnp.float32) * (1.0 / math.sqrt(D))
    inp["induce_k_W"] = jax.random.normal(ks[6], (D, D), dtype=jnp.float32) * (1.0 / math.sqrt(D))
    inp["induce_v_W"] = jax.random.normal(ks[7], (D, D), dtype=jnp.float32) * (1.0 / math.sqrt(D))
    inp["read_q_W"] = jax.random.normal(ks[8], (D, D), dtype=jnp.float32) * (1.0 / math.sqrt(D))
    inp["W_h"] = jax.random.normal(ks[9], (RD, RD), dtype=jnp.float32) * (1.0 / math.sqrt(RD))
    inp["W_x_W"] = jax.random.normal(ks[10], (RD, 2), dtype=jnp.float32) * 0.1
    inp["W_x_b"] = jnp.zeros((RD,), dtype=jnp.float32)
    inp["peer_query_W"] = jax.random.normal(ks[11], (D, RD + D + 2), dtype=jnp.float32) * 0.05
    inp["product_keys_A"] = jax.random.normal(ks[12], (PK, D // 2), dtype=jnp.float32) * 0.02
    inp["product_keys_B"] = jax.random.normal(ks[13], (PK, D // 2), dtype=jnp.float32) * 0.02
    inp["expert_W1"] = jax.random.normal(ks[14], (PK * PK, EH, 1), dtype=jnp.float32) * 0.02
    inp["expert_b1"] = jnp.zeros((PK * PK, EH), dtype=jnp.float32)
    inp["expert_W2"] = jax.random.normal(ks[15], (PK * PK, 1, EH), dtype=jnp.float32) * 0.02
    inp["expert_b2"] = jnp.zeros((PK * PK, 1), dtype=jnp.float32)
    return inp


def reference(grad, sharpness, recurrent_state, inducing_points, input_proj_W, input_proj_b,
              induce_q_W, induce_k_W, induce_v_W, read_q_W, W_h, W_x_W, W_x_b, peer_query_W,
              product_keys_A, product_keys_B, expert_W1, expert_b1, expert_W2, expert_b2):
    g = grad.reshape(-1, 1).astype(jnp.float32)
    s = sharpness.reshape(-1, 1).astype(jnp.float32)
    inp = jnp.concatenate([g, s], axis=1)
    h = recurrent_state.astype(jnp.float32)
    h_new = jnp.tanh(h @ W_h.T + inp @ W_x_W.T + W_x_b)
    x = inp @ input_proj_W.T + input_proj_b
    scale = 1.0 / math.sqrt(D)
    iq = inducing_points @ induce_q_W.T
    ik = x @ induce_k_W.T
    iv = x @ induce_v_W.T
    attn = jax.nn.softmax((iq @ ik.T) * scale, axis=-1)
    I_up = attn @ iv
    rq = x @ read_q_W.T
    read_attn = jax.nn.softmax((rq @ I_up.T) * scale, axis=-1)
    context = read_attn @ I_up
    peer_input = jnp.concatenate([h_new, context, inp], axis=1)
    query = peer_input @ peer_query_W.T
    q_a = query[:, :D // 2]
    q_b = query[:, D // 2:]
    idx_a = jnp.argmax(q_a @ product_keys_A.T, axis=-1)
    idx_b = jnp.argmax(q_b @ product_keys_B.T, axis=-1)
    expert_idx = idx_a * PK + idx_b
    W1 = jnp.take(expert_W1, expert_idx, axis=0)
    b1 = jnp.take(expert_b1, expert_idx, axis=0)
    W2 = jnp.take(expert_W2, expert_idx, axis=0)
    b2 = jnp.take(expert_b2, expert_idx, axis=0)
    z = jax.nn.relu(jnp.matmul(W1, g[:, :, None]).squeeze(-1) + b1)
    out = jnp.matmul(W2, z[:, :, None]).squeeze(-1) + b2
    smart_grad = (g + RESCALE * out).reshape(grad.shape)
    return (smart_grad, h_new)

if __name__ == "__main__":
    import jax
    _d = setup_inputs()
    print(jax.jit(kernel)(*tuple(_d.values())))

</pallas_src>

<mosaic_0001>
#map = affine_map<(d0, d1) -> (0)>
module attributes {stable_mosaic.version = 14 : i64} {
  func.func @sc_kernel(%arg0: i32, %arg1: i32, %arg2: memref<16384xf32, #tpu.memory_space<hbm>>, %arg3: memref<16384xf32, #tpu.memory_space<hbm>>, %arg4: memref<524288xi32, #tpu.memory_space<hbm>>, %arg5: memref<524288xf32, #tpu.memory_space<hbm>>, %arg6: memref<524288xf32, #tpu.memory_space<hbm>>, %arg7: memref<16384xf32, #tpu.memory_space<vmem>>, %arg8: memref<16384xf32, #tpu.memory_space<vmem>>, %arg9: memref<16384xi32, #tpu.memory_space<vmem>>, %arg10: memref<16384xf32, #tpu.memory_space<vmem>>, %arg11: memref<16384xf32, #tpu.memory_space<vmem>>) attributes {dimension_semantics = [#tpu.dimension_semantics<core_parallel>, #tpu.dimension_semantics<subcore_parallel>], iteration_bounds = array<i64: 2, 16>, scalar_prefetch = 0 : i64, scratch_operands = 5 : i64, tpu.core_type = #tpu.core_type<sc_vector_subcore>, window_params = [{transform_indices = #map}, {transform_indices = #map}, {transform_indices = #map}, {transform_indices = #map}, {transform_indices = #map}]} {
    %mul3A = arith.constant 2 : i32
    %mul3A_0 = arith.muli %arg1, %mul3A : i32
    %add3A = arith.addi %mul3A_0, %arg0 : i32
    %mul3A_1 = arith.constant 16384 : i32
    %mul3A_2 = arith.muli %add3A, %mul3A_1 : i32
    "tpu.region"() ({
      %run_scoped3A = tpu.sem_alloc : memref<!tpu.dma_semaphore, #tpu.memory_space<semaphore_mem>>
      tpu.enqueue_dma source(%arg2 : memref<16384xf32, #tpu.memory_space<hbm>>) target(%arg7 : memref<16384xf32, #tpu.memory_space<vmem>>) target_semaphore(%run_scoped3A : memref<!tpu.dma_semaphore, #tpu.memory_space<semaphore_mem>>)
      tpu.wait_dma2 semaphore(%run_scoped3A : memref<!tpu.dma_semaphore, #tpu.memory_space<semaphore_mem>>) src(%arg2 : memref<16384xf32, #tpu.memory_space<hbm>>) dst(%arg7 : memref<16384xf32, #tpu.memory_space<vmem>>)
      tpu.yield
    }) : () -> ()
    "tpu.region"() ({
      %run_scoped3A = tpu.sem_alloc : memref<!tpu.dma_semaphore, #tpu.memory_space<semaphore_mem>>
      tpu.enqueue_dma source(%arg3 : memref<16384xf32, #tpu.memory_space<hbm>>) target(%arg8 : memref<16384xf32, #tpu.memory_space<vmem>>) target_semaphore(%run_scoped3A : memref<!tpu.dma_semaphore, #tpu.memory_space<semaphore_mem>>)
      tpu.wait_dma2 semaphore(%run_scoped3A : memref<!tpu.dma_semaphore, #tpu.memory_space<semaphore_mem>>) src(%arg3 : memref<16384xf32, #tpu.memory_space<hbm>>) dst(%arg8 : memref<16384xf32, #tpu.memory_space<vmem>>)
      tpu.yield
    }) : () -> ()
    "tpu.region"() ({
      %run_scoped3A = tpu.sem_alloc : memref<!tpu.dma_semaphore, #tpu.memory_space<semaphore_mem>>
      %dma_start3A = tpu.memref_slice %arg4[%mul3A_2] : memref<524288xi32, #tpu.memory_space<hbm>> -> memref<16384xi32, #tpu.memory_space<hbm>>
      %dma_start3A_5 = tpu.memref_slice %arg4[%mul3A_2] : memref<524288xi32, #tpu.memory_space<hbm>> -> memref<16384xi32, #tpu.memory_space<hbm>>
      tpu.enqueue_dma source(%dma_start3A_5 : memref<16384xi32, #tpu.memory_space<hbm>>) target(%arg9 : memref<16384xi32, #tpu.memory_space<vmem>>) target_semaphore(%run_scoped3A : memref<!tpu.dma_semaphore, #tpu.memory_space<semaphore_mem>>)
      %dma_wait3A = tpu.memref_slice %arg4[%mul3A_2] : memref<524288xi32, #tpu.memory_space<hbm>> -> memref<16384xi32, #tpu.memory_space<hbm>>
      %dma_wait3A_6 = tpu.memref_slice %arg4[%mul3A_2] : memref<524288xi32, #tpu.memory_space<hbm>> -> memref<16384xi32, #tpu.memory_space<hbm>>
      tpu.wait_dma2 semaphore(%run_scoped3A : memref<!tpu.dma_semaphore, #tpu.memory_space<semaphore_mem>>) src(%dma_wait3A_6 : memref<16384xi32, #tpu.memory_space<hbm>>) dst(%arg9 : memref<16384xi32, #tpu.memory_space<vmem>>)
      tpu.yield
    }) : () -> ()
    "tpu.region"() ({
      %run_scoped3A = tpu.sem_alloc : memref<!tpu.dma_semaphore, #tpu.memory_space<semaphore_mem>>
      %dma_start3A = tpu.memref_slice %arg5[%mul3A_2] : memref<524288xf32, #tpu.memory_space<hbm>> -> memref<16384xf32, #tpu.memory_space<hbm>>
      %dma_start3A_5 = tpu.memref_slice %arg5[%mul3A_2] : memref<524288xf32, #tpu.memory_space<hbm>> -> memref<16384xf32, #tpu.memory_space<hbm>>
      tpu.enqueue_dma source(%dma_start3A_5 : memref<16384xf32, #tpu.memory_space<hbm>>) target(%arg10 : memref<16384xf32, #tpu.memory_space<vmem>>) target_semaphore(%run_scoped3A : memref<!tpu.dma_semaphore, #tpu.memory_space<semaphore_mem>>)
      %dma_wait3A = tpu.memref_slice %arg5[%mul3A_2] : memref<524288xf32, #tpu.memory_space<hbm>> -> memref<16384xf32, #tpu.memory_space<hbm>>
      %dma_wait3A_6 = tpu.memref_slice %arg5[%mul3A_2] : memref<524288xf32, #tpu.memory_space<hbm>> -> memref<16384xf32, #tpu.memory_space<hbm>>
      tpu.wait_dma2 semaphore(%run_scoped3A : memref<!tpu.dma_semaphore, #tpu.memory_space<semaphore_mem>>) src(%dma_wait3A_6 : memref<16384xf32, #tpu.memory_space<hbm>>) dst(%arg10 : memref<16384xf32, #tpu.memory_space<vmem>>)
      tpu.yield
    }) : () -> ()
    %parallel_loop3A = arith.constant 0 : i32
    %parallel_loop3A_3 = arith.constant 1024 : i32
    %parallel_loop3A_4 = arith.constant 1 : i32
    scf.for %parallel_loop3A_5 = %parallel_loop3A to %parallel_loop3A_3 step %parallel_loop3A_4  : i32 {
      %parallel_loop3A_6 = arith.constant 16 : i32
      %parallel_loop3A_7 = arith.muli %parallel_loop3A_5, %parallel_loop3A_6 : i32
      %parallel_loop3A_8 = arith.index_cast %parallel_loop3A_7 : i32 to index
      %parallel_loop3A_9 = tpu.vector_load %arg9[%parallel_loop3A_8] {strides = array<i32>} : memref<16384xi32, #tpu.memory_space<vmem>>, vector<16xi32>,
      %parallel_loop3A_10 = arith.index_cast %parallel_loop3A_7 : i32 to index
      %parallel_loop3A_11 = tpu.vector_load %arg10[%parallel_loop3A_10] {strides = array<i32>} : memref<16384xf32, #tpu.memory_space<vmem>>, vector<16xf32>,
      %parallel_loop3A_12 = tpu.vector_load_idx %arg7[%parallel_loop3A_9] : memref<16384xf32, #tpu.memory_space<vmem>>[vector<16xi32>], vector<16xf32>,
      %parallel_loop3A_13 = tpu.vector_load_idx %arg8[%parallel_loop3A_9] : memref<16384xf32, #tpu.memory_space<vmem>>[vector<16xi32>], vector<16xf32>,
      %parallel_loop3A_14 = arith.mulf %parallel_loop3A_11, %parallel_loop3A_12 : vector<16xf32>
      %parallel_loop3A_15 = math.absf %parallel_loop3A_11 : vector<16xf32>
      %parallel_loop3A_16 = arith.mulf %parallel_loop3A_15, %parallel_loop3A_13 : vector<16xf32>
      %parallel_loop3A_17 = arith.addf %parallel_loop3A_14, %parallel_loop3A_16 : vector<16xf32>
      %parallel_loop3A_18 = arith.index_cast %parallel_loop3A_7 : i32 to index
      %parallel_loop3A_19 = tpu.vector_load %arg11[%parallel_loop3A_18] {strides = array<i32>} : memref<16384xf32, #tpu.memory_space<vmem>>, vector<16xf32>,
      tpu.vector_store %arg11[%parallel_loop3A_18], %parallel_loop3A_17 {strides = array<i32>} : memref<16384xf32, #tpu.memory_space<vmem>>, vector<16xf32>,
    } {sc.loop_unroll_factor = 8 : i64, sc.parallel_access}
    "tpu.region"() ({
      %run_scoped3A = tpu.sem_alloc : memref<!tpu.dma_semaphore, #tpu.memory_space<semaphore_mem>>
      %dma_start3A = tpu.memref_slice %arg6[%mul3A_2] : memref<524288xf32, #tpu.memory_space<hbm>> -> memref<16384xf32, #tpu.memory_space<hbm>>
      %dma_start3A_5 = tpu.memref_slice %arg6[%mul3A_2] : memref<524288xf32, #tpu.memory_space<hbm>> -> memref<16384xf32, #tpu.memory_space<hbm>>
      tpu.enqueue_dma source(%arg11 : memref<16384xf32, #tpu.memory_space<vmem>>) target(%dma_start3A_5 : memref<16384xf32, #tpu.memory_space<hbm>>) target_semaphore(%run_scoped3A : memref<!tpu.dma_semaphore, #tpu.memory_space<semaphore_mem>>)
      %dma_wait3A = tpu.memref_slice %arg6[%mul3A_2] : memref<524288xf32, #tpu.memory_space<hbm>> -> memref<16384xf32, #tpu.memory_space<hbm>>
      %dma_wait3A_6 = tpu.memref_slice %arg6[%mul3A_2] : memref<524288xf32, #tpu.memory_space<hbm>> -> memref<16384xf32, #tpu.memory_space<hbm>>
      tpu.wait_dma2 semaphore(%run_scoped3A : memref<!tpu.dma_semaphore, #tpu.memory_space<semaphore_mem>>) src(%arg11 : memref<16384xf32, #tpu.memory_space<vmem>>) dst(%dma_wait3A_6 : memref<16384xf32, #tpu.memory_space<hbm>>)
      tpu.yield
    }) : () -> ()
    return
  }
}

module attributes {stable_mosaic.version = 14 : i64} {
  func.func @_passa_body(%arg0: i32, %arg1: memref<2x65536xf32, #tpu.memory_space<vmem>>, %arg2: memref<32x3xf32, #tpu.memory_space<vmem>>, %arg3: memref<32x3xf32, #tpu.memory_space<vmem>>, %arg4: memref<32x1xf32, #tpu.memory_space<vmem>>) attributes {dimension_semantics = [#tpu.dimension_semantics<arbitrary>], iteration_bounds = array<i64: 8>, scalar_prefetch = 0 : i64, scratch_operands = 0 : i64, tpu.core_type = #tpu.core_type<tc>, window_params = [{transform_indices = @transform_0, window_bounds = array<i64: 2, 65536>}, {pipeline_mode = #tpu.pipeline_mode<synchronous>, transform_indices = @transform_1, window_bounds = array<i64: 32, 3>}, {pipeline_mode = #tpu.pipeline_mode<synchronous>, transform_indices = @transform_2, window_bounds = array<i64: 32, 3>}, {pipeline_mode = #tpu.pipeline_mode<synchronous>, transform_indices = @transform_3, window_bounds = array<i64: 32, 1>}]} {
    %eq3A = arith.constant 0 : i32
    %eq3A_0 = arith.cmpi eq, %arg0, %eq3A : i32
    %convert_element_type3A = arith.extui %eq3A_0 : i1 to i32
    %cond3A = arith.constant 0 : i32
    %cond3A_1 = arith.cmpi ne, %convert_element_type3A, %cond3A : i32
    scf.if %cond3A_1 {
      %broadcast_in_dim3A_28 = arith.constant 0.000000e+00 : f32
      %broadcast_in_dim3A_29 = vector.broadcast %broadcast_in_dim3A_28 : f32 to vector<32x3xf32>
      %swap3A_30 = arith.constant 0 : index
      %swap3A_31 = arith.constant 0 : index
      %swap3A_32 = vector.load %arg3[%swap3A_30, %swap3A_31] : memref<32x3xf32, #tpu.memory_space<vmem>>, vector<32x3xf32>
      tpu.vector_store %arg3[%swap3A_30, %swap3A_31], %broadcast_in_dim3A_29 {strides = array<i32>} : memref<32x3xf32, #tpu.memory_space<vmem>>, vector<32x3xf32>,
      %broadcast_in_dim3A_33 = arith.constant -1.000000e+30 : f32
      %broadcast_in_dim3A_34 = vector.broadcast %broadcast_in_dim3A_33 : f32 to vector<32x1xf32>
      %swap3A_35 = arith.constant 0 : index
      %swap3A_36 = arith.constant 0 : index
      %swap3A_37 = vector.load %arg4[%swap3A_35, %swap3A_36] : memref<32x1xf32, #tpu.memory_space<vmem>>, vector<32x1xf32>
      tpu.vector_store %arg4[%swap3A_35, %swap3A_36], %broadcast_in_dim3A_34 {strides = array<i32>} : memref<32x1xf32, #tpu.memory_space<vmem>>, vector<32x1xf32>,
    } else {
    }
    %get3A = arith.constant 0 : index
    %get3A_2 = arith.constant 0 : index
    %get3A_3 = vector.load %arg1[%get3A, %get3A_2] : memref<2x65536xf32, #tpu.memory_space<vmem>>, vector<2x65536xf32>
    %broadcast_in_dim3A = arith.constant 1.000000e+00 : f32
    %broadcast_in_dim3A_4 = vector.broadcast %broadcast_in_dim3A : f32 to vector<1x65536xf32>
    %concatenate3A = tpu.concatenate %get3A_3, %broadcast_in_dim3A_4 in 0 : vector<2x65536xf32>, vector<1x65536xf32> -> vector<3x65536xf32>
    %get3A_5 = arith.constant 0 : index
    %get3A_6 = arith.constant 0 : index
    %get3A_7 = vector.load %arg2[%get3A_5, %get3A_6] : memref<32x3xf32, #tpu.memory_space<vmem>>, vector<32x3xf32>
    %dot_general3A = arith.constant dense<0.000000e+00> : vector<32x65536xf32>
    %dot_general3A_8 = tpu.matmul %get3A_7, %concatenate3A, %dot_general3A {dimension_numbers = #tpu.dot_dimension_numbers<[1], [0], [0], [1], [0, 0, 1, 1], [], []>, transpose_lhs_hint = false} : vector<32x3xf32>, vector<3x65536xf32>, vector<32x65536xf32> -> vector<32x65536xf32>
    %reduce_max3A = arith.constant dense<0xFF800000> : vector<32xf32>
    %reduce_max3A_9 = vector.multi_reduction <maximumf>, %dot_general3A_8, %reduce_max3A [1] : vector<32x65536xf32> to vector<32xf32>
    %broadcast_in_dim3A_10 = vector.shape_cast %reduce_max3A_9 : vector<32xf32> to vector<32x1xf32>
    %get3A_11 = arith.constant 0 : index
    %get3A_12 = arith.constant 0 : index
    %get3A_13 = vector.load %arg4[%get3A_11, %get3A_12] : memref<32x1xf32, #tpu.memory_space<vmem>>, vector<32x1xf32>
    %max3A = arith.maximumf %get3A_13, %broadcast_in_dim3A_10 : vector<32x1xf32>
    %sub3A = arith.subf %get3A_13, %max3A : vector<32x1xf32>
    %exp3A = math.exp %sub3A : vector<32x1xf32>
    %sub3A_14 = vector.broadcast %max3A : vector<32x1xf32> to vector<32x65536xf32>
    %sub3A_15 = arith.subf %dot_general3A_8, %sub3A_14 : vector<32x65536xf32>
    %exp3A_16 = math.exp %sub3A_15 : vector<32x65536xf32>
    %dot_general3A_17 = arith.constant dense<0.000000e+00> : vector<32x3xf32>
    %dot_general3A_18 = tpu.matmul %exp3A_16, %concatenate3A, %dot_general3A_17 {dimension_numbers = #tpu.dot_dimension_numbers<[1], [1], [0], [0], [0, 0, 1, 0], [], []>, transpose_lhs_hint = false} : vector<32x65536xf32>, vector<3x65536xf32>, vector<32x3xf32> -> vector<32x3xf32>
    %get3A_19 = arith.constant 0 : index
    %get3A_20 = arith.constant 0 : index
    %get3A_21 = vector.load %arg3[%get3A_19, %get3A_20] : memref<32x3xf32, #tpu.memory_space<vmem>>, vector<32x3xf32>
    %mul3A = vector.broadcast %exp3A : vector<32x1xf32> to vector<32x3xf32>
    %mul3A_22 = arith.mulf %get3A_21, %mul3A : vector<32x3xf32>
    %add3A = arith.addf %mul3A_22, %dot_general3A_18 : vector<32x3xf32>
    %swap3A = arith.constant 0 : index
    %swap3A_23 = arith.constant 0 : index
    %swap3A_24 = vector.load %arg3[%swap3A, %swap3A_23] : memref<32x3xf32, #tpu.memory_space<vmem>>, vector<32x3xf32>
    tpu.vector_store %arg3[%swap3A, %swap3A_23], %add3A {strides = array<i32>} : memref<32x3xf32, #tpu.memory_space<vmem>>, vector<32x3xf32>,
    %swap3A_25 = arith.constant 0 : index
    %swap3A_26 = arith.constant 0 : index
    %swap3A_27 = vector.load %arg4[%swap3A_25, %swap3A_26] : memref<32x1xf32, #tpu.memory_space<vmem>>, vector<32x1xf32>
    tpu.vector_store %arg4[%swap3A_25, %swap3A_26], %max3A {strides = array<i32>} : memref<32x1xf32, #tpu.memory_space<vmem>>, vector<32x1xf32>,
    return
  }
  func.func @transform_0(%arg0: i32) -> (i32, i32) {
    %c0_i32 = arith.constant 0 : i32
    %c0_i32_0 = arith.constant 0 : i32
    return %c0_i32, %arg0 : i32, i32
  }
  func.func @transform_1(%arg0: i32) -> (i32, i32) {
    %c0_i32 = arith.constant 0 : i32
    %c0_i32_0 = arith.constant 0 : i32
    %c0_i32_1 = arith.constant 0 : i32
    return %c0_i32, %c0_i32_0 : i32, i32
  }
  func.func @transform_2(%arg0: i32) -> (i32, i32) {
    %c0_i32 = arith.constant 0 : i32
    %c0_i32_0 = arith.constant 0 : i32
    %c0_i32_1 = arith.constant 0 : i32
    return %c0_i32, %c0_i32_0 : i32, i32
  }
  func.func @transform_3(%arg0: i32) -> (i32, i32) {
    %c0_i32 = arith.constant 0 : i32
    %c0_i32_0 = arith.constant 0 : i32
    %c0_i32_1 = arith.constant 0 : i32
    return %c0_i32, %c0_i32_0 : i32, i32
  }
}

module attributes {stable_mosaic.version = 14 : i64} {
  func.func @_prep_body(%arg0: memref<2048x128xf32, #tpu.memory_space<vmem>>, %arg1: memref<2048x128xf32, #tpu.memory_space<vmem>>, %arg2: memref<128x8xf32, #tpu.memory_space<vmem>>, %arg3: memref<2048x8xf32, #tpu.memory_space<vmem>>, %arg4: memref<2048x8xf32, #tpu.memory_space<vmem>>) attributes {dimension_semantics = [], scalar_prefetch = 0 : i64, scratch_operands = 0 : i64, tpu.core_type = #tpu.core_type<tc>} {
    %get3A = arith.constant 0 : index
    %get3A_0 = arith.constant 0 : index
    %get3A_1 = vector.load %arg0[%get3A, %get3A_0] : memref<2048x128xf32, #tpu.memory_space<vmem>>, vector<2048x128xf32>
    %get3A_2 = arith.constant 0 : index
    %get3A_3 = arith.constant 0 : index
    %get3A_4 = vector.load %arg1[%get3A_2, %get3A_3] : memref<2048x128xf32, #tpu.memory_space<vmem>>, vector<2048x128xf32>
    %get3A_5 = arith.constant 0 : index
    %get3A_6 = arith.constant 0 : index
    %get3A_7 = vector.load %arg2[%get3A_5, %get3A_6] : memref<128x8xf32, #tpu.memory_space<vmem>>, vector<128x8xf32>
    %mul3A = arith.mulf %get3A_1, %get3A_4 : vector<2048x128xf32>
    %abs3A = math.absf %get3A_1 : vector<2048x128xf32>
    %mul3A_8 = arith.mulf %abs3A, %get3A_4 : vector<2048x128xf32>
    %dot_general3A = arith.constant dense<0.000000e+00> : vector<2048x8xf32>
    %dot_general3A_9 = tpu.matmul %mul3A, %get3A_7, %dot_general3A {dimension_numbers = #tpu.dot_dimension_numbers<[1], [0], [0], [1], [0, 0, 1, 1], [], []>, transpose_lhs_hint = false} : vector<2048x128xf32>, vector<128x8xf32>, vector<2048x8xf32> -> vector<2048x8xf32>
    %mul3A_10 = arith.constant 5.000000e-02 : f32
    %mul3A_11 = vector.broadcast %mul3A_10 : f32 to vector<2048x8xf32>
    %mul3A_12 = arith.mulf %mul3A_11, %dot_general3A_9 : vector<2048x8xf32>
    %add3A = arith.constant 1.000000e+00 : f32
    %add3A_13 = vector.broadcast %add3A : f32 to vector<2048x8xf32>
    %add3A_14 = arith.addf %add3A_13, %mul3A_12 : vector<2048x8xf32>
    %swap3A = arith.constant 0 : index
    %swap3A_15 = arith.constant 0 : index
    %swap3A_16 = vector.load %arg3[%swap3A, %swap3A_15] : memref<2048x8xf32, #tpu.memory_space<vmem>>, vector<2048x8xf32>
    tpu.vector_store %arg3[%swap3A, %swap3A_15], %add3A_14 {strides = array<i32>} : memref<2048x8xf32, #tpu.memory_space<vmem>>, vector<2048x8xf32>,
    %dot_general3A_17 = arith.constant dense<0.000000e+00> : vector<2048x8xf32>
    %dot_general3A_18 = tpu.matmul %mul3A_8, %get3A_7, %dot_general3A_17 {dimension_numbers = #tpu.dot_dimension_numbers<[1], [0], [0], [1], [0, 0, 1, 1], [], []>, transpose_lhs_hint = false} : vector<2048x128xf32>, vector<128x8xf32>, vector<2048x8xf32> -> vector<2048x8xf32>
    %mul3A_19 = arith.constant 5.000000e-02 : f32
    %mul3A_20 = vector.broadcast %mul3A_19 : f32 to vector<2048x8xf32>
    %mul3A_21 = arith.mulf %mul3A_20, %dot_general3A_18 : vector<2048x8xf32>
    %swap3A_22 = arith.constant 0 : index
    %swap3A_23 = arith.constant 0 : index
    %swap3A_24 = vector.load %arg4[%swap3A_22, %swap3A_23] : memref<2048x8xf32, #tpu.memory_space<vmem>>, vector<2048x8xf32>
    tpu.vector_store %arg4[%swap3A_22, %swap3A_23], %mul3A_21 {strides = array<i32>} : memref<2048x8xf32, #tpu.memory_space<vmem>>, vector<2048x8xf32>,
    return
  }
}

module attributes {stable_mosaic.version = 14 : i64} {
  func.func @_passb_body(%arg0: i32, %arg1: memref<2x8192xf32, #tpu.memory_space<vmem>>, %arg2: memref<32x8192xf32, #tpu.memory_space<vmem>>, %arg3: memref<64x35xf32, #tpu.memory_space<vmem>>, %arg4: memref<64x66xf32, #tpu.memory_space<vmem>>, %arg5: memref<256x64xbf16, #tpu.memory_space<vmem>>, %arg6: memref<8x256xf32, #tpu.memory_space<vmem>>, %arg7: memref<32x8192xf32, #tpu.memory_space<vmem>>, %arg8: memref<1x8192xi32, #tpu.memory_space<vmem>>) attributes {dimension_semantics = [#tpu.dimension_semantics<arbitrary>], iteration_bounds = array<i64: 64>, scalar_prefetch = 0 : i64, scratch_operands = 0 : i64, tpu.core_type = #tpu.core_type<tc>, window_params = [{transform_indices = @transform_0, window_bounds = array<i64: 2, 8192>}, {transform_indices = @transform_1, window_bounds = array<i64: 32, 8192>}, {pipeline_mode = #tpu.pipeline_mode<synchronous>, transform_indices = @transform_2, window_bounds = array<i64: 64, 35>}, {pipeline_mode = #tpu.pipeline_mode<synchronous>, transform_indices = @transform_3, window_bounds = array<i64: 64, 66>}, {pipeline_mode = #tpu.pipeline_mode<synchronous>, transform_indices = @transform_4, window_bounds = array<i64: 256, 64>}, {pipeline_mode = #tpu.pipeline_mode<synchronous>, transform_indices = @transform_5, window_bounds = array<i64: 8, 256>}, {transform_indices = @transform_6, window_bounds = array<i64: 32, 8192>}, {transform_indices = @transform_7, window_bounds = array<i64: 1, 8192>}]} {
    %get3A = arith.constant 0 : index
    %get3A_0 = arith.constant 0 : index
    %get3A_1 = vector.load %arg1[%get3A, %get3A_0] : memref<2x8192xf32, #tpu.memory_space<vmem>>, vector<2x8192xf32>
    %get3A_2 = arith.constant 0 : index
    %get3A_3 = arith.constant 0 : index
    %get3A_4 = vector.load %arg2[%get3A_2, %get3A_3] : memref<32x8192xf32, #tpu.memory_space<vmem>>, vector<32x8192xf32>
    %get3A_5 = arith.constant 0 : index
    %get3A_6 = arith.constant 0 : index
    %get3A_7 = vector.load %arg3[%get3A_5, %get3A_6] : memref<64x35xf32, #tpu.memory_space<vmem>>, vector<64x35xf32>
    %get3A_8 = arith.constant 0 : index
    %get3A_9 = arith.constant 0 : index
    %get3A_10 = vector.load %arg4[%get3A_8, %get3A_9] : memref<64x66xf32, #tpu.memory_space<vmem>>, vector<64x66xf32>
    %get3A_11 = arith.constant 0 : index
    %get3A_12 = arith.constant 0 : index
    %get3A_13 = vector.load %arg5[%get3A_11, %get3A_12] : memref<256x64xbf16, #tpu.memory_space<vmem>>, vector<256x64xbf16>
    %get3A_14 = arith.constant 0 : index
    %get3A_15 = arith.constant 0 : index
    %get3A_16 = vector.load %arg6[%get3A_14, %get3A_15] : memref<8x256xf32, #tpu.memory_space<vmem>>, vector<8x256xf32>
    %broadcast_in_dim3A = arith.constant 1.000000e+00 : f32
    %broadcast_in_dim3A_17 = vector.broadcast %broadcast_in_dim3A : f32 to vector<1x8192xf32>
    %concatenate3A = tpu.concatenate %get3A_4, %get3A_1, %broadcast_in_dim3A_17 in 0 : vector<32x8192xf32>, vector<2x8192xf32>, vector<1x8192xf32> -> vector<35x8192xf32>
    %dot_general3A = arith.constant dense<0.000000e+00> : vector<64x8192xf32>
    %dot_general3A_18 = tpu.matmul %get3A_7, %concatenate3A, %dot_general3A {dimension_numbers = #tpu.dot_dimension_numbers<[1], [0], [0], [1], [0, 0, 1, 1], [], []>, transpose_lhs_hint = false} : vector<64x35xf32>, vector<35x8192xf32>, vector<64x8192xf32> -> vector<64x8192xf32>
    %slice3A = vector.extract_strided_slice %dot_general3A_18 {offsets = [0, 0], sizes = [32, 8192], strides = [1, 1]} : vector<64x8192xf32> to vector<32x8192xf32>
    %tanh3A = math.tanh %slice3A : vector<32x8192xf32>
    %swap3A = arith.constant 0 : index
    %swap3A_19 = arith.constant 0 : index
    %swap3A_20 = vector.load %arg7[%swap3A, %swap3A_19] : memref<32x8192xf32, #tpu.memory_space<vmem>>, vector<32x8192xf32>
    tpu.vector_store %arg7[%swap3A, %swap3A_19], %tanh3A {strides = array<i32>} : memref<32x8192xf32, #tpu.memory_space<vmem>>, vector<32x8192xf32>,
    %slice3A_21 = vector.extract_strided_slice %dot_general3A_18 {offsets = [32, 0], sizes = [32, 8192], strides = [1, 1]} : vector<64x8192xf32> to vector<32x8192xf32>
    %reduce_max3A = arith.constant dense<0xFF800000> : vector<8192xf32>
    %reduce_max3A_22 = vector.multi_reduction <maximumf>, %slice3A_21, %reduce_max3A [0] : vector<32x8192xf32> to vector<8192xf32>
    %broadcast_in_dim3A_23 = vector.shape_cast %reduce_max3A_22 : vector<8192xf32> to vector<1x8192xf32>
    %sub3A = vector.broadcast %broadcast_in_dim3A_23 : vector<1x8192xf32> to vector<32x8192xf32>
    %sub3A_24 = arith.subf %slice3A_21, %sub3A : vector<32x8192xf32>
    %exp3A = math.exp %sub3A_24 : vector<32x8192xf32>
    %reduce_sum3A = arith.constant dense<0.000000e+00> : vector<8192xf32>
    %reduce_sum3A_25 = vector.multi_reduction <add>, %exp3A, %reduce_sum3A [0] : vector<32x8192xf32> to vector<8192xf32>
    %broadcast_in_dim3A_26 = vector.shape_cast %reduce_sum3A_25 : vector<8192xf32> to vector<1x8192xf32>
    %div3A = arith.constant 1.000000e+00 : f32
    %div3A_27 = vector.broadcast %div3A : f32 to vector<1x8192xf32>
    %div3A_28 = arith.divf %div3A_27, %broadcast_in_dim3A_26 : vector<1x8192xf32>
    %mul3A = vector.broadcast %div3A_28 : vector<1x8192xf32> to vector<32x8192xf32>
    %mul3A_29 = arith.mulf %exp3A, %mul3A : vector<32x8192xf32>
    %concatenate3A_30 = tpu.concatenate %tanh3A, %mul3A_29, %get3A_1 in 0 : vector<32x8192xf32>, vector<32x8192xf32>, vector<2x8192xf32> -> vector<66x8192xf32>
    %dot_general3A_31 = arith.constant dense<0.000000e+00> : vector<64x8192xf32>
    %dot_general3A_32 = tpu.matmul %get3A_10, %concatenate3A_30, %dot_general3A_31 {dimension_numbers = #tpu.dot_dimension_numbers<[1], [0], [0], [1], [0, 0, 1, 1], [], []>, transpose_lhs_hint = false} : vector<64x66xf32>, vector<66x8192xf32>, vector<64x8192xf32> -> vector<64x8192xf32>
    %dot_general3A_33 = arith.constant dense<0.000000e+00> : vector<256x8192xf32>
    %dot_general3A_34 = tpu.matmul %get3A_13, %dot_general3A_32, %dot_general3A_33 {dimension_numbers = #tpu.dot_dimension_numbers<[1], [0], [0], [1], [0, 0, 1, 1], [], []>, transpose_lhs_hint = false} : vector<256x64xbf16>, vector<64x8192xf32>, vector<256x8192xf32> -> vector<256x8192xf32>
    %slice3A_35 = vector.extract_strided_slice %dot_general3A_34 {offsets = [0, 0], sizes = [128, 8192], strides = [1, 1]} : vector<256x8192xf32> to vector<128x8192xf32>
    %slice3A_36 = vector.extract_strided_slice %dot_general3A_34 {offsets = [128, 0], sizes = [128, 8192], strides = [1, 1]} : vector<256x8192xf32> to vector<128x8192xf32>
    %reduce_max3A_37 = arith.constant dense<0xFF800000> : vector<8192xf32>
    %reduce_max3A_38 = vector.multi_reduction <maximumf>, %slice3A_35, %reduce_max3A_37 [0] : vector<128x8192xf32> to vector<8192xf32>
    %broadcast_in_dim3A_39 = vector.shape_cast %reduce_max3A_38 : vector<8192xf32> to vector<1x8192xf32>
    %reduce_max3A_40 = arith.constant dense<0xFF800000> : vector<8192xf32>
    %reduce_max3A_41 = vector.multi_reduction <maximumf>, %slice3A_36, %reduce_max3A_40 [0] : vector<128x8192xf32> to vector<8192xf32>
    %broadcast_in_dim3A_42 = vector.shape_cast %reduce_max3A_41 : vector<8192xf32> to vector<1x8192xf32>
    %eq3A = vector.broadcast %broadcast_in_dim3A_39 : vector<1x8192xf32> to vector<128x8192xf32>
    %eq3A_43 = arith.cmpf oeq, %slice3A_35, %eq3A : vector<128x8192xf32>
    %convert_element_type3A = arith.extui %eq3A_43 : vector<128x8192xi1> to vector<128x8192xi32>
    %convert_element_type3A_44 = arith.sitofp %convert_element_type3A : vector<128x8192xi32> to vector<128x8192xf32>
    %eq3A_45 = vector.broadcast %broadcast_in_dim3A_42 : vector<1x8192xf32> to vector<128x8192xf32>
    %eq3A_46 = arith.cmpf oeq, %slice3A_36, %eq3A_45 : vector<128x8192xf32>
    %convert_element_type3A_47 = arith.extui %eq3A_46 : vector<128x8192xi1> to vector<128x8192xi32>
    %convert_element_type3A_48 = arith.sitofp %convert_element_type3A_47 : vector<128x8192xi32> to vector<128x8192xf32>
    %slice3A_49 = vector.extract_strided_slice %get3A_16 {offsets = [0, 0], sizes = [8, 128], strides = [1, 1]} : vector<8x256xf32> to vector<8x128xf32>
    %dot_general3A_50 = arith.constant dense<0.000000e+00> : vector<8x8192xf32>
    %dot_general3A_51 = tpu.matmul %slice3A_49, %convert_element_type3A_44, %dot_general3A_50 {dimension_numbers = #tpu.dot_dimension_numbers<[1], [0], [0], [1], [0, 0, 1, 1], [], []>, transpose_lhs_hint = false} : vector<8x128xf32>, vector<128x8192xf32>, vector<8x8192xf32> -> vector<8x8192xf32>
    %slice3A_52 = vector.extract_strided_slice %get3A_16 {offsets = [0, 128], sizes = [8, 128], strides = [1, 1]} : vector<8x256xf32> to vector<8x128xf32>
    %dot_general3A_53 = arith.constant dense<0.000000e+00> : vector<8x8192xf32>
    %dot_general3A_54 = tpu.matmul %slice3A_52, %convert_element_type3A_48, %dot_general3A_53 {dimension_numbers = #tpu.dot_dimension_numbers<[1], [0], [0], [1], [0, 0, 1, 1], [], []>, transpose_lhs_hint = false} : vector<8x128xf32>, vector<128x8192xf32>, vector<8x8192xf32> -> vector<8x8192xf32>
    %add3A = arith.addf %dot_general3A_51, %dot_general3A_54 : vector<8x8192xf32>
    %slice3A_55 = vector.extract_strided_slice %add3A {offsets = [0, 0], sizes = [1, 8192], strides = [1, 1]} : vector<8x8192xf32> to vector<1x8192xf32>
    %min3A = arith.constant 1.638300e+04 : f32
    %min3A_56 = vector.broadcast %min3A : f32 to vector<1x8192xf32>
    %min3A_57 = arith.minimumf %slice3A_55, %min3A_56 : vector<1x8192xf32>
    %convert_element_type3A_58 = arith.fptosi %min3A_57 : vector<1x8192xf32> to vector<1x8192xi32>
    %swap3A_59 = arith.constant 0 : index
    %swap3A_60 = arith.constant 0 : index
    %swap3A_61 = vector.load %arg8[%swap3A_59, %swap3A_60] : memref<1x8192xi32, #tpu.memory_space<vmem>>, vector<1x8192xi32>
    tpu.vector_store %arg8[%swap3A_59, %swap3A_60], %convert_element_type3A_58 {strides = array<i32>} : memref<1x8192xi32, #tpu.memory_space<vmem>>, vector<1x8192xi32>,
    return
  }
  func.func @transform_0(%arg0: i32) -> (i32, i32) {
    %c0_i32 = arith.constant 0 : i32
    %c0_i32_0 = arith.constant 0 : i32
    return %c0_i32, %arg0 : i32, i32
  }
  func.func @transform_1(%arg0: i32) -> (i32, i32) {
    %c0_i32 = arith.constant 0 : i32
    %c0_i32_0 = arith.constant 0 : i32
    return %c0_i32, %arg0 : i32, i32
  }
  func.func @transform_2(%arg0: i32) -> (i32, i32) {
    %c0_i32 = arith.constant 0 : i32
    %c0_i32_0 = arith.constant 0 : i32
    %c0_i32_1 = arith.constant 0 : i32
    return %c0_i32, %c0_i32_0 : i32, i32
  }
  func.func @transform_3(%arg0: i32) -> (i32, i32) {
    %c0_i32 = arith.constant 0 : i32
    %c0_i32_0 = arith.constant 0 : i32
    %c0_i32_1 = arith.constant 0 : i32
    return %c0_i32, %c0_i32_0 : i32, i32
  }
  func.func @transform_4(%arg0: i32) -> (i32, i32) {
    %c0_i32 = arith.constant 0 : i32
    %c0_i32_0 = arith.constant 0 : i32
    %c0_i32_1 = arith.constant 0 : i32
    return %c0_i32, %c0_i32_0 : i32, i32
  }
  func.func @transform_5(%arg0: i32) -> (i32, i32) {
    %c0_i32 = arith.constant 0 : i32
    %c0_i32_0 = arith.constant 0 : i32
    %c0_i32_1 = arith.constant 0 : i32
    return %c0_i32, %c0_i32_0 : i32, i32
  }
  func.func @transform_6(%arg0: i32) -> (i32, i32) {
    %c0_i32 = arith.constant 0 : i32
    %c0_i32_0 = arith.constant 0 : i32
    return %c0_i32, %arg0 : i32, i32
  }
  func.func @transform_7(%arg0: i32) -> (i32, i32) {
    %c0_i32 = arith.constant 0 : i32
    %c0_i32_0 = arith.constant 0 : i32
    return %c0_i32, %arg0 : i32, i32
  }
}

</mosaic_0001>

<sc_bundles>
// kernel: kernel.6.cloned.1.call-start
scs
__scs_entry_jumppad:
0x0: {  	(pc) =	sbr.rel $0x88, $3  }
0x1: {  	(tag) =	ssettag $0x0;
	lr =	simm.s32 $0x1  }
0x2: {  	[smem:$0x3F8F] =	sst lr;
	_ =	strace $0xD0000000  }
0x3: {  	_ = 	snop  }
0x4: {  	_ = 	snop  }
0x5: {  	_ = 	snop  }
0x6: {  	_ = 	snop  }
0x7: {  	_ = 	snop  }
__scs_overlays_trampoline_lowered:
0x8: {  	[smem:$0x3F9E] =	sst s0  }
0x9: {  	[smem:$0x3F9F] =	sst s1  }
0xa: {  	[smem:$0x3FA0] =	sst s2  }
0xb: {  	[smem:$0x3FA1] =	sst s3  }
0xc: {  	[smem:$0x3FA2] =	sst s4  }
0xd: {  	[smem:$0x3FA3] =	sst s5  }
0xe: {  	[smem:$0x3FA4] =	sst s6  }
0xf: {  	[smem:$0x3FA5] =	sst s7  }
0x10: {  	[smem:$0x3FA6] =	sst s8  }
0x11: {  	[smem:$0x3FA7] =	sst s9;
	s0 =	simm.s32 @!p0 $0x0  }
0x12: {  	s1 =	sld [smem:$0x3F8D];
	s0 =	simm.s32 @p0 $0x1  }
0x13: {  	[smem:$0x3FA8] =	sst s0;
	s0 =	simm.s32 @!p1 $0x0  }
0x14: {  	s2 =	sld [smem:$0x3F8C];
	s0 =	simm.s32 @p1 $0x1  }
0x15: {  	[smem:$0x3FA9] =	sst s0;
	s0 =	simm.s32 @!p2 $0x0  }
0x16: {  	s3 =	sld [smem:$0x3FDB];
	s0 =	simm.s32 @p2 $0x1  }
0x17: {  	s4 =	simm.s32 $0x1BF5;
	[smem:$0x3FAB] =	sst s0  }
0x18: {  	s0 =	sld [smem:$0x3F8E];
	_ =	swait.ge [sflag:s4], $0x0  }
0x19: {  	s7 =	sld [smem:$0x3F8F]  }
0x1a: {  	s8 =	sadd.s32 $0xFFFFE003, lr  }
0x1b: {  	s9 =	sadd.s32 $0xFFFFFEF7, lr;
	s5 =	simm.s32 $0xFFFFFFFF;
	p2 =	slt.u32 s8, $0xFFFFF086  }
0x1c: {  	p1 =	slt.u32 s9, $0xF7A;
	s5 =	simm.s32 @!p2 $0x0  }
0x1d: {  	s5 =	simm.s32 @p1 $0x1;
	p0 =	seq.s32 s7, s2  }
0x1e: {  	s7 =	smul.u32 @!p0 $0xF7A, s2;
	p2 =	seq.s32 @!p0 s5, $0x0  }
0x1f: {  	s9 =	smul.u32 $0xF7A, s1;
	s8 =	simm.s32 @!p0 $0x1BF5;
	p2 =	por !p2, p0  }
0x20: {  	[sflag:s8] =	ssyncset.s32 @!p0 $0xFFFFF086;
	s6 =	sadd.s32 @!p0 s3, s7;
	s7 =	simm.s32 @!p0 $0x108  }
0x21: {  	s3 =	sadd.s32 s3, s9;
	s6 =	sadd.s32 @!p0 $0x88, s6;
	s7 =	simm.s32 @p2 $0x1082  }
0x22: {  	[simem:s7], [sflag:s8] =	dma.local @!p0 [hbm:s6], $0xF7A  }
0x23: {  	s9 =	sor.u32 $0xD0000000, s2;
	s6 =	simm.s32 $0x108;
	_ =	swait.ge @!p0 [sflag:s8], $0x0  }
0x24: {  	s3 =	sadd.s32 $0x88, s3;
	s6 =	simm.s32 @!p1 $0x1082;
	[sflag:s4] =	ssyncset.s32 $0xFFFFF086  }
0x25: {  	[simem:s6], [sflag:s4] =	dma.local [hbm:s3], $0xF7A  }
0x26: {  	[smem:$0x3F8F] =	sst s1;
	(tag) =	ssettag s2;
	_ =	strace s9  }
0x27: {  	s1 =	sld [smem:$0x3F9F]  }
0x28: {  	s2 =	sld [smem:$0x3FA0]  }
0x29: {  	s4 =	sld [smem:$0x3FA2]  }
0x2a: {  	p0 =	seq.s32 s5, $0x0;
	s5 =	sld [smem:$0x3FA3]  }
0x2b: {  	s6 =	sld [smem:$0x3FA4]  }
0x2c: {  	s7 =	sld [smem:$0x3FA5]  }
0x2d: {  	s3 =	simm.s32 $0x108;
	s8 =	sld [smem:$0x3FA6]  }
0x2e: {  	s3 =	simm.s32 @!p0 $0x1082;
	s9 =	sld [smem:$0x3FA7]  }
0x2f: {  	lr =	sadd.s32 s0, s3;
	s0 =	sld [smem:$0x3F9E]  }
0x30: {  	s3 =	sld [smem:$0x3FA1]  }
0x31: {  	[smem:$0x3FAA] =	sst s10  }
0x32: {  	s10 =	sld [smem:$0x3FA8];
	_ =	sdelay $0x3  }
0x33: {  	p0 =	seq.s32 s10, $0x1;
	s10 =	sld [smem:$0x3FAA];
	_ =	sdelay $0x3  }
0x34: {  	[smem:$0x3FAA] =	sst s10  }
0x35: {  	s10 =	sld [smem:$0x3FA9];
	_ =	sdelay $0x3  }
0x36: {  	p1 =	seq.s32 s10, $0x1;
	s10 =	sld [smem:$0x3FAA];
	_ =	sdelay $0x3  }
0x37: {  	[smem:$0x3FAA] =	sst s10  }
0x38: {  	s10 =	sld [smem:$0x3FAB]  }
0x39: {  	_ = 	snop;
	(pc) =	sbr.ind lr, $3  }
0x3a: {  	_ = 	snop  }
0x3b: {  	_ = 	snop  }
0x3c: {  	p2 =	seq.s32 s10, $0x1;
	s10 =	sld [smem:$0x3FAA]  }
0x3d: {  	_ =	shalt  }
0x3e: {  	_ =	shalt  }
0x3f: {  	_ =	shalt  }
0x40: {  	_ =	shalt  }
0x41: {  	_ =	shalt  }
0x42: {  	_ =	shalt  }
0x43: {  	_ =	shalt  }
0x44: {  	_ =	shalt  }
0x45: {  	_ =	shalt  }
0x46: {  	_ =	shalt  }
0x47: {  	_ =	shalt  }
0x48: {  	_ =	shalt  }
0x49: {  	_ =	shalt  }
0x4a: {  	_ =	shalt  }
0x4b: {  	_ =	shalt  }
0x4c: {  	_ =	shalt  }
0x4d: {  	_ =	shalt  }
0x4e: {  	_ =	shalt  }
0x4f: {  	_ =	shalt  }
0x50: {  	_ =	shalt  }
0x51: {  	_ =	shalt  }
0x52: {  	_ =	shalt  }
0x53: {  	_ =	shalt  }
0x54: {  	_ =	shalt  }
0x55: {  	_ =	shalt  }
0x56: {  	_ =	shalt  }
0x57: {  	_ =	shalt  }
0x58: {  	_ =	shalt  }
0x59: {  	_ =	shalt  }
0x5a: {  	_ =	shalt  }
0x5b: {  	_ =	shalt  }
0x5c: {  	_ =	shalt  }
0x5d: {  	_ =	shalt  }
0x5e: {  	_ =	shalt  }
0x5f: {  	_ =	shalt  }
0x60: {  	_ =	shalt  }
0x61: {  	_ =	shalt  }
0x62: {  	_ =	shalt  }
0x63: {  	_ =	shalt  }
0x64: {  	_ =	shalt  }
0x65: {  	_ =	shalt  }
0x66: {  	_ =	shalt  }
0x67: {  	_ =	shalt  }
0x68: {  	_ =	shalt  }
0x69: {  	_ =	shalt  }
0x6a: {  	_ =	shalt  }
0x6b: {  	_ =	shalt  }
0x6c: {  	_ =	shalt  }
0x6d: {  	_ =	shalt  }
0x6e: {  	_ =	shalt  }
0x6f: {  	_ =	shalt  }
0x70: {  	_ =	shalt  }
0x71: {  	_ =	shalt  }
0x72: {  	_ =	shalt  }
0x73: {  	_ =	shalt  }
0x74: {  	_ =	shalt  }
0x75: {  	_ =	shalt  }
0x76: {  	_ =	shalt  }
0x77: {  	_ =	shalt  }
0x78: {  	_ =	shalt  }
0x79: {  	_ =	shalt  }
0x7a: {  	_ =	shalt  }
0x7b: {  	_ =	shalt  }
0x7c: {  	_ =	shalt  }
0x7d: {  	_ =	shalt  }
0x7e: {  	_ =	shalt  }
0x7f: {  	_ =	shalt  }
0x80: {  	_ =	shalt  }
0x81: {  	_ =	shalt  }
0x82: {  	_ =	shalt  }
0x83: {  	_ =	shalt  }
0x84: {  	_ =	shalt  }
0x85: {  	_ =	shalt  }
0x86: {  	_ =	shalt  }
0x87: {  	_ =	shalt  }
.Lfunc_end0:
.L_simem_size_0:
called_computation_lowered:
.L_overlay_start_0:
0x88: {  	s2 =	sld [smem:$0x3FD9]  }
0x89: {  	s3 =	sld [smem:$0x3FFE];
	_ =	sdelay $0x1  }
0x8a: {  	s1 =	srdreg.scid  }
0x8b: {  	s0 =	sand.u32 $0x1, s1  }
0x8c: {  	s14 =	sshll.u32 s0, $0xA;
	s2 =	sadd.s32 s3, s2  }
0x8d: {  	s2 =	sadd.s32 s2, s14  }
0x8e: {  	[smem:$0x3FB6] =	sst s2  }
0x8f: {  	_ = 	snop  }
0x90: {  	s2 =	sld [smem:$0x3FD0];
	_ =	sdelay $0x2  }
0x91: {  	s4 =	simm.s32 $0xA;
	s5 =	simm.s32 $0x10;
	s15 =	sld [smem:$0x3FC9]  }
0x92: {  	[smem:s5], [sflag:s4] =	dma.local [hbm:s2], $0x1  }
0x93: {  	_ =	swait.eq [sflag:s4], $0x1  }
0x94: {  	[sflag:s4] =	ssyncset.done $0x0  }
0x95: {  	[sflag:s4] =	ssyncadd.s32 $0xFFFFFFFF  }
0x96: {  	s16 =	sld [smem:$0x10];
	(tm) =	ssettm $0x1  }
0x97: {  	s17 =	sld [smem:$0x3FFB];
	_ =	sdelay $0x3  }
0x98: {  	_ =	strace s17  }
0x99: {  	s4 =	sld [smem:$0x3FFC];
	_ =	sdelay $0x3  }
0x9a: {  	_ =	strace s4  }
0x9b: {  	s4 =	sld [smem:$0x3FFD];
	_ =	sdelay $0x3  }
0x9c: {  	_ =	strace s4  }
0x9d: {  	_ =	strace $0x8FFFFFFF  }
0x9e: {  	s18 =	sld [smem:$0x3FDB];
	_ =	sdelay $0x1  }
0x9f: {  	s19 =	simm.s32 $_scs_section_size  }
0xa0: {  	s6 =	simm.s32 $_size__tile_overlayer_lowered;
	s7 =	simm.s32 $_tile_overlayer_lowered  }
0xa1: {  	s22 =	simm.s32 $0x1BFF;
	s21 =	sshll.u32 s7, $0x1;
	s4 =	sadd.s32 s19, s18  }
0xa2: {  	s8 =	simm.s32 $0x0;
	s20 =	sshll.u32 s6, $0x1;
	s6 =	sadd.s32 s21, s4  }
0xa3: {  	[timem:s8], [sflag:s22] =	dma.local [hbm:s6], s20  }
0xa4: {  	_ =	swait.ge [sflag:s22], s20  }
0xa5: {  	s5 =	ssub.s32 $0x0, s20;
	[sflag:s22] =	ssyncset.done $0x0  }
0xa6: {  	[sflag:s22] =	ssyncadd.s32 s5;
	_ =	sdelay $0x1  }
0xa7: {  	s23 =	simm.s32 $0x1B8B  }
0xa8: {  	_ =	swait.ge [sflag:s23], $0x1  }
0xa9: {  	[sflag:s23] =	ssyncset.done $0x0  }
0xaa: {  	s25 =	simm.s32 $0x1B8E;
	s24 =	sld [smem:$0x3FFE];
	[sflag:s23] =	ssyncadd.s32 $0xFFFFFFFF  }
0xab: {  	s26 =	simm.s32 $execute0_lowered;
	[smem:$0x3FD2] =	sst s25  }
0xac: {  	s6 =	sshll.u32 s26, $0x1;
	_ =	strace $0x80000046;
	[dreg:$0x1] =	wrdreg $0xFFFFFFFF  }
0xad: {  	s28 =	simm.s32 $_size_execute0_lowered;
	s4 =	sadd.s32 s4, s6;
	[dreg:$0x0] =	wrdreg $0x0  }
0xae: {  	s6 =	sshll.u32 s28, $0x1;
	[dreg:$0x2] =	wrdreg s4  }
0xaf: {  	[dreg:$0x3] =	wrdreg s6  }
0xb0: {  	[dreg:$0x4] =	wrdreg $0xC0  }
0xb1: {  	_ =	task [dreg:s8], $0x5FFFF  }
0xb2: {  	[dreg:$0x1] =	wrdreg $0xFFFFFFFF  }
0xb3: {  	[dreg:$0x0] =	wrdreg $0x60  }
0xb4: {  	[dreg:$0x2] =	wrdreg s24  }
0xb5: {  	[dreg:$0x3] =	wrdreg s15  }
0xb6: {  	[dreg:$0x4] =	wrdreg s16  }
0xb7: {  	[dreg:$0x5] =	wrdreg $0x9  }
0xb8: {  	_ =	task.clear_ibuf [dreg:s8], $0x6FFFF;
	_ =	strace $0x90000046  }
0xb9: {  	s29 =	simm.s32 $0x9;
	_ =	strace $0x80000048  }
0xba: {  	_ =	swait.ge [sflag:s29], $0x1  }
0xbb: {  	[sflag:s29] =	ssyncadd.s32 $0xFFFFFFFF  }
0xbc: {  	_ =	strace $0x90000048  }
0xbd: {  	_ =	sfence  }
0xbe: {  	s30 =	sld [smem:$0x0];
	_ =	sdelay $0x2  }
0xbf: {  	s31 =	sshll.u32 s1, $0xD;
	s1 =	sshrl.u32 s1, $0x2  }
0xc0: {  	s3 =	sand.u32 $0x4000, s31;
	s1 =	sadd.s32 s1, s30  }
0xc1: {  	s0 =	sor.u32 s3, s0;
	s1 =	sshll.u32 s1, $0x11  }
0xc2: {  	s0 =	sor.u32 s1, s0  }
0xc3: {  	s0 =	sadd.s32 $0x8F2B, s0  }
0xc4: {  	[sflag:s0] =	ssyncadd.remote.s32 $0x1  }
0xc5: {  	_ =	sfence.sel $0xFFFF  }
0xc6: {  	[dreg:$0x0] =	wrdreg $0xFFFFFFFF;
	(pc) =	sbr.abs _section_cstart, $3  }
0xc7: {  	[dreg:$0x1] =	wrdreg $0xFFFFFFFF  }
0xc8: {  	_ =	task.clear_ibuf [dreg:s8], $0x2FFFF;
	_ =	strace $0x9FFFFFFF  }
0xc9: {  	(tm) =	ssettm $0x7FFFFFFF  }
tec
execute0_lowered:
.L_overlay_start_1:
0x0: {  	(tag) =	ssettag $0x1  }
0x1: {  	s4 =	rddreg [dreg:$0x0]  }
0x2: {  	s6 =	rddreg [dreg:$0x1]  }
0x3: {  	s7 =	rddreg [dreg:$0x2]  }
0x4: {  	s0 =	rddreg [dreg:$0x3];
	s3 =	srdreg.scid  }
0x5: {  	s2 =	simm.s32 $0x0;
	s1 =	stileid.u32;
	s11 =	simm.s32 $0x8000  }
0x6: {  	s12 =	simm.s32 $0xC000;
	s13 =	simm.s32 $0x10000;
	s14 =	simm.s32 $0x0  }
0x7: {  	s3 =	sand.u32 $0x1, s3;
	[smem:$0x7FF] =	sst s2;
	s5 =	sshll.u32 s1, $0xC  }
0x8: {  	s8 =	sshll.u32 s3, $0xB;
	_ =	strace $0x80000047;
	s31 =	ssub.s32 $0x2, s3  }
0x9: {  	s3 =	sadd.s32 $0x2000, s4;
	s8 =	sor.u32 s8, s5;
	s10 =	sshrl.u32 s31, $0x1  }
0xa: {  	s9 =	sadd.s32 s8, s4;
	s4 =	sadd.s32 $0x2800, s4;
	s10 =	ssub.s32 s31, s10  }
0xb: {  	s6 =	sadd.s32 s6, s8;
	s7 =	sadd.s32 s7, s8;
	s5 =	sadd.s32 $0x3000, s9  }
0xc: {  	s8 =	smax.u32 s10, $0x1;
	s9 =	simm.s32 $0x1;
	s10 =	simm.s32 $0x4000  }
.LBB2_1:
0xd: {  	[tilespmem:s2], [sflag:$0x1] =	stream.linear.gather [hbm4b:s3+s2], $0x4000, $0x38;
	[tilespmem:$0x14000] =	vst v63  }
0xe: {  	_ =	swait.ge [sflag:s9], $0x4000  }
0xf: {  	[sflag:s9] =	ssyncset.done $0x0  }
0x10: {  	[sflag:s9] =	ssyncadd.s32 $0xFFFFC000  }
0x11: {  	[tilespmem:s10], [sflag:$0x1] =	stream.linear.gather [hbm4b:s4+s2], $0x4000, $0x38;
	[tilespmem:$0x14000] =	vst v63  }
0x12: {  	_ =	swait.ge [sflag:s9], $0x4000  }
0x13: {  	[sflag:s9] =	ssyncset.done $0x0  }
0x14: {  	[sflag:s9] =	ssyncadd.s32 $0xFFFFC000  }
0x15: {  	[tilespmem:s11], [sflag:$0x1] =	stream.linear.gather [hbm4b:s5+s2], $0x4000, $0x38;
	[tilespmem:$0x14000] =	vst v63  }
0x16: {  	_ =	swait.ge [sflag:s9], $0x4000  }
0x17: {  	[sflag:s9] =	ssyncset.done $0x0  }
0x18: {  	[sflag:s9] =	ssyncadd.s32 $0xFFFFC000  }
0x19: {  	[tilespmem:s12], [sflag:$0x1] =	stream.linear.gather [hbm4b:s6+s2], $0x4000, $0x38;
	[tilespmem:$0x14000] =	vst v63  }
0x1a: {  	_ =	swait.ge [sflag:s9], $0x4000  }
0x1b: {  	[sflag:s9] =	ssyncset.done $0x0  }
0x1c: {  	s16 =	simm.s32 $0x8040;
	[sflag:s9] =	ssyncadd.s32 $0xFFFFC000  }
0x1d: {  	v0 =	vld [tilespmem:s16+$0x30]  }
0x1e: {  	v3 =	vld [tilespmem:s16+$0xFFFFFFD0]  }
0x1f: {  	v4 =	vld [tilespmem:s16+$0xFFFFFFE0]  }
0x20: {  	v5 =	vld [tilespmem:s16+$0xFFFFFFF0]  }
0x21: {  	v7 =	vld [tilespmem:s16+$0x0]  }
0x22: {  	v9 =	vld [tilespmem:s16+$0x10]  }
0x23: {  	s15 =	simm.s32 $0xC040;
	v11 =	vld [tilespmem:s16+$0x20]  }
0x24: {  	v6 =	vld [tilespmem:s15+$0x30]  }
0x25: {  	v12 =	vld [tilespmem:s16+$0xFFFFFFC0]  }
0x26: {  	v13 =	vld [tilespmem:s15+$0xFFFFFFC0]  }
0x27: {  	v14 =	vld [tilespmem:s15+$0xFFFFFFD0]  }
0x28: {  	v15 =	vld [tilespmem:s15+$0xFFFFFFE0]  }
0x29: {  	v16 =	vld [tilespmem:s15+$0xFFFFFFF0]  }
0x2a: {  	v2 =	vld [tilespmem:s15+$0x0]  }
0x2b: {  	v1 =	vld [tilespmem:s15+$0x10]  }
0x2c: {  	v8 =	vld.idx.msk [tilespmem:v0+s2+$0x0], $0xffff  }
0x2d: {  	v10 =	vld.idx.msk [tilespmem:v0+s10+$0x0], $0xffff  }
0x2e: {  	v0 =	vld [tilespmem:s15+$0x20]  }
0x2f: {  	v17 =	vld.idx.msk [tilespmem:v12+s2+$0x0], $0xffff  }
0x30: {  	v12 =	vld.idx.msk [tilespmem:v12+s10+$0x0], $0xffff  }
0x31: {  	v18 =	vld.idx.msk [tilespmem:v3+s2+$0x0], $0xffff  }
0x32: {  	v3 =	vld.idx.msk [tilespmem:v3+s10+$0x0], $0xffff  }
0x33: {  	v19 =	vld.idx.msk [tilespmem:v4+s2+$0x0], $0xffff  }
0x34: {  	v20 =	vand.u32 $0x7FFFFFFF, v6;
	v4 =	vld.idx.msk [tilespmem:v4+s10+$0x0], $0xffff  }
0x35: {  	v22 =	vld.idx.msk [tilespmem:v5+s10+$0x0], $0xffff;
	v6 =	vmul.f32 v8, v6;
	v8 =	vmul.f32 v10, v20  }
0x36: {  	v62 =	vand.u32 $0x7FFFFFFF, v13;
	v21 =	vand.u32 $0x7FFFFFFF, v14;
	v10 =	vld.idx.msk [tilespmem:v5+s2+$0x0], $0xffff  }
0x37: {  	v12 =	vmul.f32 v12, v62;
	v5 =	vadd.f32 v8, v6;
	v8 =	vmul.f32 v17, v13;
	v6 =	vld.idx.msk [tilespmem:v7+s2+$0x0], $0xffff  }
0x38: {  	v3 =	vmul.f32 v3, v21;
	v13 =	vmul.f32 v18, v14;
	v7 =	vld.idx.msk [tilespmem:v7+s10+$0x0], $0xffff  }
0x39: {  	s16 =	simm.s32 $0x10040;
	v14 =	vand.u32 $0x7FFFFFFF, v15;
	v15 =	vmul.f32 v19, v15;
	v12 =	vadd.f32 v12, v8;
	v8 =	vld.idx.msk [tilespmem:v9+s2+$0x0], $0xffff  }
0x3a: {  	v63 =	vand.u32 $0x7FFFFFFF, v16;
	v14 =	vmul.f32 v4, v14;
	[tilespmem:s16+$0x30] =	vst v5;
	v13 =	vadd.f32 v3, v13;
	v9 =	vld.idx.msk [tilespmem:v9+s10+$0x0], $0xffff  }
0x3b: {  	v4 =	vand.u32 $0x7FFFFFFF, v1;
	v5 =	vand.u32 $0x7FFFFFFF, v2;
	[tilespmem:s16+$0xFFFFFFC0] =	vst v12;
	v12 =	vmul.f32 v10, v16;
	v10 =	vld.idx.msk [tilespmem:v11+s2+$0x0], $0xffff  }
0x3c: {  	s17 =	simm.s32 $0x0;
	s18 =	simm.s32 $0x80C0;
	v3 =	vand.u32 $0x7FFFFFFF, v0;
	[tilespmem:s16+$0xFFFFFFD0] =	vst v13;
	v13 =	vadd.f32 v14, v15;
	v14 =	vmul.f32 v22, v63;
	v11 =	vld.idx.msk [tilespmem:v11+s10+$0x0], $0xffff  }
.LBB2_2:
0x3d: {  	v15 =	vld [tilespmem:s18+$0x30];
	v2 =	vmul.f32 v6, v2  }
0x3e: {  	s17 =	sadd.s32 $0x8, s17;
	v5 =	vmul.f32 v7, v5;
	v6 =	vld [tilespmem:s18+$0xFFFFFFD0];
	[tilespmem:s16+$0xFFFFFFE0] =	vst v13;
	v12 =	vadd.f32 v14, v12  }
0x3f: {  	p0 =	slt.u32 s17, $0x3F8;
	v1 =	vmul.f32 v8, v1;
	v7 =	vld [tilespmem:s18+$0xFFFFFFE0]  }
0x40: {  	v2 =	vadd.f32 v5, v2;
	v4 =	vmul.f32 v9, v4;
	v8 =	vld [tilespmem:s18+$0xFFFFFFF0];
	[tilespmem:s16+$0xFFFFFFF0] =	vst v12  }
0x41: {  	v0 =	vmul.f32 v10, v0;
	v9 =	vld [tilespmem:s18+$0x0]  }
0x42: {  	v1 =	vadd.f32 v4, v1;
	v10 =	vld [tilespmem:s18+$0x10];
	[tilespmem:s16+$0x0] =	vst v2;
	v2 =	vmul.f32 v11, v3  }
0x43: {  	s15 =	sadd.s32 $0x80, s15;
	v11 =	vld [tilespmem:s18+$0x20]  }
0x44: {  	v3 =	vld [tilespmem:s15+$0x30];
	[tilespmem:s16+$0x10] =	vst v1;
	v0 =	vadd.f32 v2, v0  }
0x45: {  	v1 =	vld.idx.msk [tilespmem:v15+s2+$0x0], $0xffff  }
0x46: {  	v4 =	vld.idx.msk [tilespmem:v15+s10+$0x0], $0xffff;
	[tilespmem:s16+$0x20] =	vst v0  }
0x47: {  	v5 =	vld [tilespmem:s18+$0xFFFFFFC0]  }
0x48: {  	v12 =	vld [tilespmem:s15+$0xFFFFFFC0]  }
0x49: {  	v13 =	vld [tilespmem:s15+$0xFFFFFFD0]  }
0x4a: {  	v14 =	vld [tilespmem:s15+$0xFFFFFFE0]  }
0x4b: {  	v0 =	vand.u32 $0x7FFFFFFF, v3;
	v15 =	vld [tilespmem:s15+$0xFFFFFFF0]  }
0x4c: {  	v3 =	vmul.f32 v1, v3;
	v4 =	vmul.f32 v4, v0;
	v2 =	vld [tilespmem:s15+$0x0]  }
0x4d: {  	v16 =	vand.u32 $0x7FFFFFFF, v12;
	v1 =	vld [tilespmem:s15+$0x10]  }
0x4e: {  	v3 =	vadd.f32 v4, v3;
	v17 =	vand.u32 $0x7FFFFFFF, v13;
	v0 =	vld [tilespmem:s15+$0x20]  }
0x4f: {  	s16 =	sadd.s32 $0x80, s16;
	v18 =	vld.idx.msk [tilespmem:v5+s2+$0x0], $0xffff;
	v19 =	vand.u32 $0x7FFFFFFF, v14  }
0x50: {  	v20 =	vld.idx.msk [tilespmem:v5+s10+$0x0], $0xffff;
	v21 =	vand.u32 $0x7FFFFFFF, v15;
	[tilespmem:s16+$0x30] =	vst v3  }
0x51: {  	v22 =	vld.idx.msk [tilespmem:v6+s2+$0x0], $0xffff;
	v5 =	vand.u32 $0x7FFFFFFF, v2  }
0x52: {  	v23 =	vld.idx.msk [tilespmem:v6+s10+$0x0], $0xffff;
	v4 =	vand.u32 $0x7FFFFFFF, v1  }
0x53: {  	v24 =	vld.idx.msk [tilespmem:v7+s2+$0x0], $0xffff;
	v3 =	vand.u32 $0x7FFFFFFF, v0  }
0x54: {  	v25 =	vld.idx.msk [tilespmem:v7+s10+$0x0], $0xffff  }
0x55: {  	v7 =	vmul.f32 v18, v12;
	v12 =	vld.idx.msk [tilespmem:v8+s2+$0x0], $0xffff  }
0x56: {  	v16 =	vmul.f32 v20, v16;
	v18 =	vld.idx.msk [tilespmem:v8+s10+$0x0], $0xffff  }
0x57: {  	v13 =	vmul.f32 v22, v13;
	v6 =	vld.idx.msk [tilespmem:v9+s2+$0x0], $0xffff  }
.Ltmp0:
0x58: {  	v16 =	vadd.f32 v16, v7;
	v17 =	vmul.f32 v23, v17;
	v7 =	vld.idx.msk [tilespmem:v9+s10+$0x0], $0xffff;
	(pc) =	sbr.rel @p0 .LBB2_2-.Ltmp0, $4  }
0x59: {  	v14 =	vmul.f32 v24, v14;
	v8 =	vld.idx.msk [tilespmem:v10+s2+$0x0], $0xffff  }
0x5a: {  	v13 =	vadd.f32 v17, v13;
	[tilespmem:s16+$0xFFFFFFC0] =	vst v16;
	v16 =	vmul.f32 v25, v19;
	v9 =	vld.idx.msk [tilespmem:v10+s10+$0x0], $0xffff  }
0x5b: {  	v12 =	vmul.f32 v12, v15;
	v10 =	vld.idx.msk [tilespmem:v11+s2+$0x0], $0xffff  }
0x5c: {  	s18 =	sadd.s32 $0x80, s18;
	[tilespmem:s16+$0xFFFFFFD0] =	vst v13;
	v13 =	vadd.f32 v16, v14;
	v14 =	vmul.f32 v18, v21;
	v11 =	vld.idx.msk [tilespmem:v11+s10+$0x0], $0xffff  }
0x5d: {  	_ =	sdelay $0x1  }
0x5e: {  	v2 =	vmul.f32 v6, v2;
	v5 =	vmul.f32 v7, v5  }
0x5f: {  	v63 =	vadd.f32 v14, v12;
	v1 =	vmul.f32 v8, v1;
	v4 =	vmul.f32 v9, v4  }
0x60: {  	[tilespmem:s16+$0xFFFFFFE0] =	vst v13;
	v2 =	vadd.f32 v5, v2;
	v0 =	vmul.f32 v10, v0;
	v3 =	vmul.f32 v11, v3  }
0x61: {  	[tilespmem:s16+$0xFFFFFFF0] =	vst v63;
	v1 =	vadd.f32 v4, v1  }
0x62: {  	s14 =	sadd.s32 $0x1, s14;
	[tilespmem:s16+$0x0] =	vst v2;
	v0 =	vadd.f32 v3, v0  }
0x63: {  	p0 =	sne.s32 s14, s8;
	[tilespmem:s16+$0x10] =	vst v1  }
.Ltmp1:
0x64: {  	[tilespmem:s16+$0x20] =	vst v0;
	(pc) =	sbr.rel @p0 .LBB2_1-.Ltmp1, $4  }
0x65: {  	[hbm4b:s7+s2] =	stream.linear.scatter [tilespmem:s13], [sflag:$0x1], $0x4000, $0x38;
	[tilespmem:$0x14000] =	vst v63  }
0x66: {  	_ =	swait.ge [sflag:s9], $0x4000  }
0x67: {  	[sflag:s9] =	ssyncset.done $0x0  }
0x68: {  	[sflag:s9] =	ssyncadd.s32 $0xFFFFC000  }
0x69: {  	_ =	sfence.sel $0x180000  }
0x6a: {  	[bflag:$0x0] =	sbarrier.arrive $0xFFFF  }
0x6b: {  	p0 =	sne.s32 s1, $0x0;
	_ =	strace $0x90000047  }
0x6c: {  	s0 =	sadd.s32 @!p0 $0x100000, s0;
	[bflag:$0x2] =	sbarrier.arrive $0xFFFF  }
0x6d: {  	[sflag:s0] =	ssyncadd.tile.s32 @!p0 $0x1;
	_ =	shalt  }
.Lfunc_end2:
_tile_overlayer_lowered:
.L_overlay_start_2:
0x6e: {  	(tag) =	ssettag $0x2  }
0x6f: {  	s0 =	rddreg [dreg:$0x0];
	s2 =	stileid.u32  }
0x70: {  	s1 =	rddreg [dreg:$0x1];
	p0 =	sne.s32 s2, $0x0  }
0x71: {  	s3 =	rddreg [dreg:$0x2];
	[bflag:$0x3] =	sbarrier.arrive $0xFFFF;
	s2 =	simm.s32 @!p0 $0x1C01  }
0x72: {  	[timem:s3], [sflag:s2] =	dma.local @!p0 [hbm:s0], s1  }
0x73: {  	s0 =	simm.s32 @!p0 $0x1  }
0x74: {  	_ =	swait.ge @!p0 [sflag:s0], s1  }
0x75: {  	s1 =	ssub.s32 @!p0 $0x0, s1;
	[sflag:s0] =	ssyncset.done @!p0 $0x0  }
0x76: {  	[sflag:s0] =	ssyncadd.s32 @!p0 s1  }
0x77: {  	[bflag:$0x3] =	sbarrier.arrive $0xFFFF  }
0x78: {  	_ =	shalt  }

</sc_bundles>
